<compile_context>
chip_gen: v7x
topology: tpu7x:2x2x1
jax: 0.10.2.dev20260603
libtpu: 0.0.44.dev20260713+nightly
codegen_flags: <defaults>
</compile_context>

<pallas_src>
import functools

import jax
import jax.numpy as jnp
from jax import lax
from jax.experimental import pallas as pl
from jax.experimental.pallas import tpu as pltpu
from jax.experimental.pallas import tpu_sc as plsc

N = 16384
D = 64
V = 8192
R = 512
VC = 4096

_NC = 2
_NS = 16
_NW = _NC * _NS
_BPW = N // _NW


def _tokens_body(coords_ref, feats_ref, W1s_ref, b1s_ref, W2s_ref, b2s_ref,
                 W1f_ref, b1f_ref, W2f_ref, b2f_ref, cb_ref, tok_ref):
    def bdot(a, b, dims):
        return jax.lax.dot_general(a.astype(jnp.bfloat16), b.astype(jnp.bfloat16),
                                   dims, preferred_element_type=jnp.float32)

    coords = coords_ref[...]
    feats = feats_ref[...]
    nt = (((1,), (0,)), ((), ()))
    h_s = jnp.maximum(bdot(coords, W1s_ref[...], nt) + b1s_ref[...][None, :], 0.0)
    e_s = bdot(h_s, W2s_ref[...], nt) + b2s_ref[...][None, :]
    h_f = jnp.maximum(bdot(feats, W1f_ref[...], nt) + b1f_ref[...][None, :], 0.0)
    e_f = bdot(h_f, W2f_ref[...], nt) + b2f_ref[...][None, :]
    x = e_s + e_f
    x2 = jnp.sum(x * x, axis=1, keepdims=True)

    def body(j, carry):
        best_d, best_i = carry
        cb = cb_ref[pl.ds(j * VC, VC), :]
        c2 = jnp.sum(cb * cb, axis=1)[None, :]
        cbn = cb.astype(jnp.bfloat16) * jnp.bfloat16(-2.0)
        gneg = jax.lax.dot_general(x.astype(jnp.bfloat16), cbn,
                                   (((1,), (1,)), ((), ())),
                                   preferred_element_type=jnp.float32)
        d2 = (x2 + c2) + gneg
        cmin2 = jnp.min(d2, axis=1, keepdims=True)
        ids = lax.broadcasted_iota(jnp.int32, (R, VC), 1)
        cidx = jnp.min(jnp.where(d2 == cmin2, ids, V), axis=1, keepdims=True) + j * VC
        cmin = jnp.sqrt(jnp.maximum(cmin2, 0.0))
        upd = cmin < best_d
        cmin_b = cmin.astype(jnp.bfloat16).astype(jnp.float32)
        return (jnp.where(upd, cmin_b, best_d), jnp.where(upd, cidx, best_i))

    init = (jnp.full((R, 1), jnp.inf, jnp.float32), jnp.zeros((R, 1), jnp.int32))
    _, best_i = lax.fori_loop(0, V // VC, body, init)
    tok_ref[...] = best_i


def _tokens_call(coordinates, features, W1s, b1s, W2s, b2s, W1f, b1f, W2f, b2f,
                 codebook, interpret=False):
    grid = (N // R,)
    full = lambda shape: pl.BlockSpec(shape, lambda i: tuple(0 for _ in shape))
    out = pl.pallas_call(
        _tokens_body,
        grid=grid,
        in_specs=[
            pl.BlockSpec((R, 2), lambda i: (i, 0)),
            pl.BlockSpec((R, 10), lambda i: (i, 0)),
            full((2, 128)), full((128,)), full((128, D)), full((D,)),
            full((10, 128)), full((128,)), full((128, D)), full((D,)),
            full((V, D)),
        ],
        out_specs=pl.BlockSpec((R, 1), lambda i: (i, 0)),
        out_shape=jax.ShapeDtypeStruct((N, 1), jnp.int32),
        compiler_params=pltpu.CompilerParams(
            dimension_semantics=("parallel",)),
        interpret=interpret,
    )(coordinates, features, W1s, b1s, W2s, b2s, W1f, b1f, W2f, b2f, codebook)
    return out[:, 0]


@functools.lru_cache(maxsize=1)
def _make_gather_rows():
    mesh = plsc.VectorSubcoreMesh(core_axis_name="c", subcore_axis_name="s")

    @functools.partial(
        pl.kernel, mesh=mesh,
        out_type=jax.ShapeDtypeStruct((N, D), jnp.float32),
        scratch_types=[
            pltpu.VMEM((_BPW,), jnp.int32),
            pltpu.VMEM((_BPW, D), jnp.float32),
            pltpu.SemaphoreType.DMA,
        ],
        compiler_params=pltpu.CompilerParams(use_tc_tiling_on_sc=False),
    )
    def _gather_rows(cb_hbm, idx_hbm, out_hbm, idx_v, rows_v, sem):
        wid = lax.axis_index("s") * _NC + lax.axis_index("c")
        base = wid * _BPW
        pltpu.sync_copy(idx_hbm.at[pl.ds(base, _BPW)], idx_v)
        pltpu.async_copy(cb_hbm.at[idx_v], rows_v, sem).wait()
        pltpu.sync_copy(rows_v, out_hbm.at[pl.ds(base, _BPW)])

    return _gather_rows


def kernel(coordinates, features, W1s, b1s, W2s, b2s, W1f, b1f, W2f, b2f, codebook):
    tokens = _tokens_call(coordinates, features, W1s, b1s, W2s, b2s,
                          W1f, b1f, W2f, b2f, codebook)
    quantized = _make_gather_rows()(codebook, tokens)
    return tokens, quantized

# --- scband reference (transcript-rebuilt; emitter-appended) ---
"""Pipeline reference for scband-geo-tokenizer-18476949307917 (READ-ONLY COPY).

The authoritative reference and input builder live on the scoring server;
editing this copy changes nothing except your own understanding.
"""

import jax, jax.numpy as jnp
import numpy as np

N = 16384
EMBED_DIM = 64
VOCAB = 8192


def setup_inputs(seed: int = 0) -> dict:
    key = jax.random.key(seed)
    ks = jax.random.split(key, 8)
    coordinates = jax.random.uniform(ks[0], (N, 2), dtype=jnp.float32)
    features = jax.random.normal(ks[1], (N, 10), dtype=jnp.float32)
    W1s = jax.random.normal(ks[2], (2, 128), dtype=jnp.float32) * (1.0 / np.sqrt(2.0))
    b1s = jnp.zeros((128,), dtype=jnp.float32)
    W2s = jax.random.normal(ks[3], (128, EMBED_DIM), dtype=jnp.float32) * (1.0 / np.sqrt(128.0))
    b2s = jnp.zeros((EMBED_DIM,), dtype=jnp.float32)
    W1f = jax.random.normal(ks[4], (10, 128), dtype=jnp.float32) * (1.0 / np.sqrt(10.0))
    b1f = jnp.zeros((128,), dtype=jnp.float32)
    W2f = jax.random.normal(ks[5], (128, EMBED_DIM), dtype=jnp.float32) * (1.0 / np.sqrt(128.0))
    b2f = jnp.zeros((EMBED_DIM,), dtype=jnp.float32)
    codebook = jax.random.normal(ks[6], (VOCAB, EMBED_DIM), dtype=jnp.float32)
    return {
        'coordinates': coordinates,
        'features': features,
        'W1s': W1s, 'b1s': b1s, 'W2s': W2s, 'b2s': b2s,
        'W1f': W1f, 'b1f': b1f, 'W2f': W2f, 'b2f': b2f,
        'codebook': codebook,
    }


def reference(coordinates, features, W1s, b1s, W2s, b2s, W1f, b1f, W2f, b2f, codebook):
    # spatial_encoder: Linear(2,128) -> ReLU -> Linear(128, embed_dim)
    spatial_emb = jnp.maximum(coordinates @ W1s + b1s, 0.0) @ W2s + b2s
    # feature_encoder: Linear(10,128) -> ReLU -> Linear(128, embed_dim)
    feature_emb = jnp.maximum(features @ W1f + b1f, 0.0) @ W2f + b2f
    combined = spatial_emb + feature_emb
    # torch.cdist (euclidean) between combined [N, D] and codebook [V, D]
    x2 = jnp.sum(combined * combined, axis=-1, keepdims=True)
    c2 = jnp.sum(codebook * codebook, axis=-1)[None, :]
    d2 = x2 + c2 - 2.0 * (combined @ codebook.T)
    distances = jnp.sqrt(jnp.maximum(d2, 0.0))
    tokens = jnp.argmin(distances, axis=-1)
    quantized = jnp.take(codebook, tokens, axis=0)
    return tokens, quantized

if __name__ == "__main__":
    import jax
    _d = setup_inputs()
    print(jax.jit(kernel)(*tuple(_d.values())))

</pallas_src>

<mosaic_0001>
#map = affine_map<(d0, d1) -> (0, 0)>
#map1 = affine_map<(d0, d1) -> (0)>
module attributes {stable_mosaic.version = 14 : i64} {
  func.func @_gather_rows(%arg0: i32, %arg1: i32, %arg2: memref<8192x64xf32, #tpu.memory_space<hbm>>, %arg3: memref<16384xi32, #tpu.memory_space<hbm>>, %arg4: memref<16384x64xf32, #tpu.memory_space<hbm>>, %arg5: memref<512xi32, #tpu.memory_space<vmem>>, %arg6: memref<512x64xf32, #tpu.memory_space<vmem>>, %arg7: memref<!tpu.dma_semaphore, #tpu.memory_space<semaphore_mem>>) attributes {dimension_semantics = [#tpu.dimension_semantics<core_parallel>, #tpu.dimension_semantics<subcore_parallel>], iteration_bounds = array<i64: 2, 16>, scalar_prefetch = 0 : i64, scratch_operands = 3 : i64, tpu.core_type = #tpu.core_type<sc_vector_subcore>, window_params = [{transform_indices = #map}, {transform_indices = #map1}, {transform_indices = #map}]} {
    %mul3A = arith.constant 2 : i32
    %mul3A_0 = arith.muli %arg1, %mul3A : i32
    %add3A = arith.addi %mul3A_0, %arg0 : i32
    %mul3A_1 = arith.constant 512 : i32
    %mul3A_2 = arith.muli %add3A, %mul3A_1 : i32
    "tpu.region"() ({
      %run_scoped3A = tpu.sem_alloc : memref<!tpu.dma_semaphore, #tpu.memory_space<semaphore_mem>>
      %dma_start3A_7 = tpu.memref_slice %arg3[%mul3A_2] : memref<16384xi32, #tpu.memory_space<hbm>> -> memref<512xi32, #tpu.memory_space<hbm>>
      %dma_start3A_8 = tpu.memref_slice %arg3[%mul3A_2] : memref<16384xi32, #tpu.memory_space<hbm>> -> memref<512xi32, #tpu.memory_space<hbm>>
      tpu.enqueue_dma source(%dma_start3A_8 : memref<512xi32, #tpu.memory_space<hbm>>) target(%arg5 : memref<512xi32, #tpu.memory_space<vmem>>) target_semaphore(%run_scoped3A : memref<!tpu.dma_semaphore, #tpu.memory_space<semaphore_mem>>)
      %dma_wait3A_9 = tpu.memref_slice %arg3[%mul3A_2] : memref<16384xi32, #tpu.memory_space<hbm>> -> memref<512xi32, #tpu.memory_space<hbm>>
      %dma_wait3A_10 = tpu.memref_slice %arg3[%mul3A_2] : memref<16384xi32, #tpu.memory_space<hbm>> -> memref<512xi32, #tpu.memory_space<hbm>>
      tpu.wait_dma2 semaphore(%run_scoped3A : memref<!tpu.dma_semaphore, #tpu.memory_space<semaphore_mem>>) src(%dma_wait3A_10 : memref<512xi32, #tpu.memory_space<hbm>>) dst(%arg5 : memref<512xi32, #tpu.memory_space<vmem>>)
      tpu.yield
    }) : () -> ()
    %dma_start3A = arith.constant 0 : i32
    %dma_start3A_3 = arith.constant 0 : i32
    %dma_start3A_4 = tpu.memref_slice %arg2[%dma_start3A, %dma_start3A_3] : memref<8192x64xf32, #tpu.memory_space<hbm>> -> memref<8192x64xf32, #tpu.memory_space<hbm>>
    tpu.enqueue_indirect_dma source(%dma_start3A_4 : memref<8192x64xf32, #tpu.memory_space<hbm>>) target(%arg6 : memref<512x64xf32, #tpu.memory_space<vmem>>) offsets(%arg5 : memref<512xi32, #tpu.memory_space<vmem>>) semaphore(%arg7 : memref<!tpu.dma_semaphore, #tpu.memory_space<semaphore_mem>>)
    %dma_wait3A = arith.constant 0 : i32
    %dma_wait3A_5 = arith.constant 0 : i32
    %dma_wait3A_6 = tpu.memref_slice %arg2[%dma_wait3A, %dma_wait3A_5] : memref<8192x64xf32, #tpu.memory_space<hbm>> -> memref<8192x64xf32, #tpu.memory_space<hbm>>
    tpu.wait_indirect_dma semaphore(%arg7 : memref<!tpu.dma_semaphore, #tpu.memory_space<semaphore_mem>>) src(%dma_wait3A_6 : memref<8192x64xf32, #tpu.memory_space<hbm>>) dst(%arg6 : memref<512x64xf32, #tpu.memory_space<vmem>>)
    "tpu.region"() ({
      %run_scoped3A = tpu.sem_alloc : memref<!tpu.dma_semaphore, #tpu.memory_space<semaphore_mem>>
      %dma_start3A_7 = arith.constant 0 : i32
      %dma_start3A_8 = tpu.memref_slice %arg4[%mul3A_2, %dma_start3A_7] : memref<16384x64xf32, #tpu.memory_space<hbm>> -> memref<512x64xf32, #tpu.memory_space<hbm>>
      %dma_start3A_9 = arith.constant 0 : i32
      %dma_start3A_10 = tpu.memref_slice %arg4[%mul3A_2, %dma_start3A_9] : memref<16384x64xf32, #tpu.memory_space<hbm>> -> memref<512x64xf32, #tpu.memory_space<hbm>>
      tpu.enqueue_dma source(%arg6 : memref<512x64xf32, #tpu.memory_space<vmem>>) target(%dma_start3A_10 : memref<512x64xf32, #tpu.memory_space<hbm>>) target_semaphore(%run_scoped3A : memref<!tpu.dma_semaphore, #tpu.memory_space<semaphore_mem>>)
      %dma_wait3A_11 = arith.constant 0 : i32
      %dma_wait3A_12 = tpu.memref_slice %arg4[%mul3A_2, %dma_wait3A_11] : memref<16384x64xf32, #tpu.memory_space<hbm>> -> memref<512x64xf32, #tpu.memory_space<hbm>>
      %dma_wait3A_13 = arith.constant 0 : i32
      %dma_wait3A_14 = tpu.memref_slice %arg4[%mul3A_2, %dma_wait3A_13] : memref<16384x64xf32, #tpu.memory_space<hbm>> -> memref<512x64xf32, #tpu.memory_space<hbm>>
      tpu.wait_dma2 semaphore(%run_scoped3A : memref<!tpu.dma_semaphore, #tpu.memory_space<semaphore_mem>>) src(%arg6 : memref<512x64xf32, #tpu.memory_space<vmem>>) dst(%dma_wait3A_14 : memref<512x64xf32, #tpu.memory_space<hbm>>)
      tpu.yield
    }) : () -> ()
    return
  }
}

module attributes {stable_mosaic.version = 14 : i64} {
  func.func @_tokens_body(%arg0: i32, %arg1: memref<512x2xf32, #tpu.memory_space<vmem>>, %arg2: memref<512x10xf32, #tpu.memory_space<vmem>>, %arg3: memref<2x128xf32, #tpu.memory_space<vmem>>, %arg4: memref<128xf32, #tpu.memory_space<vmem>>, %arg5: memref<128x64xf32, #tpu.memory_space<vmem>>, %arg6: memref<64xf32, #tpu.memory_space<vmem>>, %arg7: memref<10x128xf32, #tpu.memory_space<vmem>>, %arg8: memref<128xf32, #tpu.memory_space<vmem>>, %arg9: memref<128x64xf32, #tpu.memory_space<vmem>>, %arg10: memref<64xf32, #tpu.memory_space<vmem>>, %arg11: memref<8192x64xf32, #tpu.memory_space<vmem>>, %arg12: memref<512x1xi32, #tpu.memory_space<vmem>>) attributes {dimension_semantics = [#tpu.dimension_semantics<parallel>], iteration_bounds = array<i64: 32>, scalar_prefetch = 0 : i64, scratch_operands = 0 : i64, tpu.core_type = #tpu.core_type<tc>, window_params = [{transform_indices = @transform_0, window_bounds = array<i64: 512, 2>}, {transform_indices = @transform_1, window_bounds = array<i64: 512, 10>}, {pipeline_mode = #tpu.pipeline_mode<synchronous>, transform_indices = @transform_2, window_bounds = array<i64: 2, 128>}, {pipeline_mode = #tpu.pipeline_mode<synchronous>, transform_indices = @transform_3, window_bounds = array<i64: 128>}, {pipeline_mode = #tpu.pipeline_mode<synchronous>, transform_indices = @transform_4, window_bounds = array<i64: 128, 64>}, {pipeline_mode = #tpu.pipeline_mode<synchronous>, transform_indices = @transform_5, window_bounds = array<i64: 64>}, {pipeline_mode = #tpu.pipeline_mode<synchronous>, transform_indices = @transform_6, window_bounds = array<i64: 10, 128>}, {pipeline_mode = #tpu.pipeline_mode<synchronous>, transform_indices = @transform_7, window_bounds = array<i64: 128>}, {pipeline_mode = #tpu.pipeline_mode<synchronous>, transform_indices = @transform_8, window_bounds = array<i64: 128, 64>}, {pipeline_mode = #tpu.pipeline_mode<synchronous>, transform_indices = @transform_9, window_bounds = array<i64: 64>}, {pipeline_mode = #tpu.pipeline_mode<synchronous>, transform_indices = @transform_10, window_bounds = array<i64: 8192, 64>}, {transform_indices = @transform_11, window_bounds = array<i64: 512, 1>}]} {
    %get3A = arith.constant 0 : index
    %get3A_0 = arith.constant 0 : index
    %get3A_1 = vector.load %arg1[%get3A, %get3A_0] : memref<512x2xf32, #tpu.memory_space<vmem>>, vector<512x2xf32>
    %get3A_2 = arith.constant 0 : index
    %get3A_3 = arith.constant 0 : index
    %get3A_4 = vector.load %arg2[%get3A_2, %get3A_3] : memref<512x10xf32, #tpu.memory_space<vmem>>, vector<512x10xf32>
    %get3A_5 = arith.constant 0 : index
    %get3A_6 = arith.constant 0 : index
    %get3A_7 = vector.load %arg3[%get3A_5, %get3A_6] : memref<2x128xf32, #tpu.memory_space<vmem>>, vector<2x128xf32>
    %convert_element_type3A = arith.truncf %get3A_1 : vector<512x2xf32> to vector<512x2xbf16>
    %convert_element_type3A_8 = arith.truncf %get3A_7 : vector<2x128xf32> to vector<2x128xbf16>
    %dot_general3A = arith.constant dense<0.000000e+00> : vector<512x128xf32>
    %dot_general3A_9 = tpu.matmul %convert_element_type3A, %convert_element_type3A_8, %dot_general3A {dimension_numbers = #tpu.dot_dimension_numbers<[1], [0], [0], [1], [0, 0, 1, 1], [], []>, transpose_lhs_hint = false} : vector<512x2xbf16>, vector<2x128xbf16>, vector<512x128xf32> -> vector<512x128xf32>
    %get3A_10 = arith.constant 0 : index
    %get3A_11 = vector.load %arg4[%get3A_10] : memref<128xf32, #tpu.memory_space<vmem>>, vector<128xf32>
    %broadcast_in_dim3A = vector.shape_cast %get3A_11 : vector<128xf32> to vector<1x128xf32>
    %add3A = vector.broadcast %broadcast_in_dim3A : vector<1x128xf32> to vector<512x128xf32>
    %add3A_12 = arith.addf %dot_general3A_9, %add3A : vector<512x128xf32>
    %max3A = arith.constant 0.000000e+00 : f32
    %max3A_13 = vector.broadcast %max3A : f32 to vector<512x128xf32>
    %max3A_14 = arith.maximumf %add3A_12, %max3A_13 : vector<512x128xf32>
    %get3A_15 = arith.constant 0 : index
    %get3A_16 = arith.constant 0 : index
    %get3A_17 = vector.load %arg5[%get3A_15, %get3A_16] : memref<128x64xf32, #tpu.memory_space<vmem>>, vector<128x64xf32>
    %convert_element_type3A_18 = arith.truncf %max3A_14 : vector<512x128xf32> to vector<512x128xbf16>
    %convert_element_type3A_19 = arith.truncf %get3A_17 : vector<128x64xf32> to vector<128x64xbf16>
    %dot_general3A_20 = arith.constant dense<0.000000e+00> : vector<512x64xf32>
    %dot_general3A_21 = tpu.matmul %convert_element_type3A_18, %convert_element_type3A_19, %dot_general3A_20 {dimension_numbers = #tpu.dot_dimension_numbers<[1], [0], [0], [1], [0, 0, 1, 1], [], []>, transpose_lhs_hint = false} : vector<512x128xbf16>, vector<128x64xbf16>, vector<512x64xf32> -> vector<512x64xf32>
    %get3A_22 = arith.constant 0 : index
    %get3A_23 = vector.load %arg6[%get3A_22] : memref<64xf32, #tpu.memory_space<vmem>>, vector<64xf32>
    %broadcast_in_dim3A_24 = vector.shape_cast %get3A_23 : vector<64xf32> to vector<1x64xf32>
    %add3A_25 = vector.broadcast %broadcast_in_dim3A_24 : vector<1x64xf32> to vector<512x64xf32>
    %add3A_26 = arith.addf %dot_general3A_21, %add3A_25 : vector<512x64xf32>
    %get3A_27 = arith.constant 0 : index
    %get3A_28 = arith.constant 0 : index
    %get3A_29 = vector.load %arg7[%get3A_27, %get3A_28] : memref<10x128xf32, #tpu.memory_space<vmem>>, vector<10x128xf32>
    %convert_element_type3A_30 = arith.truncf %get3A_4 : vector<512x10xf32> to vector<512x10xbf16>
    %convert_element_type3A_31 = arith.truncf %get3A_29 : vector<10x128xf32> to vector<10x128xbf16>
    %dot_general3A_32 = arith.constant dense<0.000000e+00> : vector<512x128xf32>
    %dot_general3A_33 = tpu.matmul %convert_element_type3A_30, %convert_element_type3A_31, %dot_general3A_32 {dimension_numbers = #tpu.dot_dimension_numbers<[1], [0], [0], [1], [0, 0, 1, 1], [], []>, transpose_lhs_hint = false} : vector<512x10xbf16>, vector<10x128xbf16>, vector<512x128xf32> -> vector<512x128xf32>
    %get3A_34 = arith.constant 0 : index
    %get3A_35 = vector.load %arg8[%get3A_34] : memref<128xf32, #tpu.memory_space<vmem>>, vector<128xf32>
    %broadcast_in_dim3A_36 = vector.shape_cast %get3A_35 : vector<128xf32> to vector<1x128xf32>
    %add3A_37 = vector.broadcast %broadcast_in_dim3A_36 : vector<1x128xf32> to vector<512x128xf32>
    %add3A_38 = arith.addf %dot_general3A_33, %add3A_37 : vector<512x128xf32>
    %max3A_39 = arith.constant 0.000000e+00 : f32
    %max3A_40 = vector.broadcast %max3A_39 : f32 to vector<512x128xf32>
    %max3A_41 = arith.maximumf %add3A_38, %max3A_40 : vector<512x128xf32>
    %get3A_42 = arith.constant 0 : index
    %get3A_43 = arith.constant 0 : index
    %get3A_44 = vector.load %arg9[%get3A_42, %get3A_43] : memref<128x64xf32, #tpu.memory_space<vmem>>, vector<128x64xf32>
    %convert_element_type3A_45 = arith.truncf %max3A_41 : vector<512x128xf32> to vector<512x128xbf16>
    %convert_element_type3A_46 = arith.truncf %get3A_44 : vector<128x64xf32> to vector<128x64xbf16>
    %dot_general3A_47 = arith.constant dense<0.000000e+00> : vector<512x64xf32>
    %dot_general3A_48 = tpu.matmul %convert_element_type3A_45, %convert_element_type3A_46, %dot_general3A_47 {dimension_numbers = #tpu.dot_dimension_numbers<[1], [0], [0], [1], [0, 0, 1, 1], [], []>, transpose_lhs_hint = false} : vector<512x128xbf16>, vector<128x64xbf16>, vector<512x64xf32> -> vector<512x64xf32>
    %get3A_49 = arith.constant 0 : index
    %get3A_50 = vector.load %arg10[%get3A_49] : memref<64xf32, #tpu.memory_space<vmem>>, vector<64xf32>
    %broadcast_in_dim3A_51 = vector.shape_cast %get3A_50 : vector<64xf32> to vector<1x64xf32>
    %add3A_52 = vector.broadcast %broadcast_in_dim3A_51 : vector<1x64xf32> to vector<512x64xf32>
    %add3A_53 = arith.addf %dot_general3A_48, %add3A_52 : vector<512x64xf32>
    %add3A_54 = arith.addf %add3A_26, %add3A_53 : vector<512x64xf32>
    %mul3A = arith.mulf %add3A_54, %add3A_54 : vector<512x64xf32>
    %reduce_sum3A = arith.constant dense<0.000000e+00> : vector<512xf32>
    %reduce_sum3A_55 = vector.multi_reduction <add>, %mul3A, %reduce_sum3A [1] : vector<512x64xf32> to vector<512xf32>
    %broadcast_in_dim3A_56 = vector.shape_cast %reduce_sum3A_55 : vector<512xf32> to vector<512x1xf32>
    %broadcast_in_dim3A_57 = arith.constant 0x7F800000 : f32
    %broadcast_in_dim3A_58 = vector.broadcast %broadcast_in_dim3A_57 : f32 to vector<512x1xf32>
    %broadcast_in_dim3A_59 = arith.constant 0 : i32
    %broadcast_in_dim3A_60 = vector.broadcast %broadcast_in_dim3A_59 : i32 to vector<512x1xi32>
    %scan3A = arith.constant 0 : i32
    %scan3A_61 = arith.constant 2 : i32
    %scan3A_62 = arith.addi %scan3A, %scan3A_61 : i32
    %scan3A_63 = arith.constant 1 : i32
    %scan3A_64:2 = scf.for %scan3A_68 = %scan3A to %scan3A_62 step %scan3A_63 iter_args(%scan3A_69 = %broadcast_in_dim3A_58, %scan3A_70 = %broadcast_in_dim3A_60) -> (vector<512x1xf32>, vector<512x1xi32>)  : i32 {
      %mul3A_71 = arith.constant 4096 : i32
      %mul3A_72 = arith.muli %scan3A_68, %mul3A_71 : i32
      %get3A_73 = arith.index_cast %mul3A_72 : i32 to index
      %get3A_74 = arith.constant 0 : index
      %get3A_75 = vector.load %arg11[%get3A_73, %get3A_74] : memref<8192x64xf32, #tpu.memory_space<vmem>>, vector<4096x64xf32>
      %mul3A_76 = arith.mulf %get3A_75, %get3A_75 : vector<4096x64xf32>
      %reduce_sum3A_77 = arith.constant dense<0.000000e+00> : vector<4096xf32>
      %reduce_sum3A_78 = vector.multi_reduction <add>, %mul3A_76, %reduce_sum3A_77 [1] : vector<4096x64xf32> to vector<4096xf32>
      %broadcast_in_dim3A_79 = vector.shape_cast %reduce_sum3A_78 : vector<4096xf32> to vector<1x4096xf32>
      %convert_element_type3A_80 = arith.truncf %get3A_75 : vector<4096x64xf32> to vector<4096x64xbf16>
      %mul3A_81 = arith.constant -2.000000e+00 : bf16
      %mul3A_82 = vector.broadcast %mul3A_81 : bf16 to vector<4096x64xbf16>
      %mul3A_83 = arith.mulf %convert_element_type3A_80, %mul3A_82 : vector<4096x64xbf16>
      %convert_element_type3A_84 = arith.truncf %add3A_54 : vector<512x64xf32> to vector<512x64xbf16>
      %dot_general3A_85 = arith.constant dense<0.000000e+00> : vector<512x4096xf32>
      %dot_general3A_86 = tpu.matmul %convert_element_type3A_84, %mul3A_83, %dot_general3A_85 {dimension_numbers = #tpu.dot_dimension_numbers<[1], [1], [0], [0], [0, 0, 1, 0], [], []>, transpose_lhs_hint = false} : vector<512x64xbf16>, vector<4096x64xbf16>, vector<512x4096xf32> -> vector<512x4096xf32>
      %add3A_87 = vector.broadcast %broadcast_in_dim3A_56 : vector<512x1xf32> to vector<512x4096xf32>
      %add3A_88 = vector.broadcast %broadcast_in_dim3A_79 : vector<1x4096xf32> to vector<512x4096xf32>
      %add3A_89 = arith.addf %add3A_87, %add3A_88 : vector<512x4096xf32>
      %add3A_90 = arith.addf %add3A_89, %dot_general3A_86 : vector<512x4096xf32>
      %reduce_min3A = arith.constant dense<0x7F800000> : vector<512xf32>
      %reduce_min3A_91 = vector.multi_reduction <minimumf>, %add3A_90, %reduce_min3A [1] : vector<512x4096xf32> to vector<512xf32>
      %broadcast_in_dim3A_92 = vector.shape_cast %reduce_min3A_91 : vector<512xf32> to vector<512x1xf32>
      %iota3A = tpu.iota {dimensions = array<i32: 1>} : vector<512x4096xi32>
      %eq3A = vector.broadcast %broadcast_in_dim3A_92 : vector<512x1xf32> to vector<512x4096xf32>
      %eq3A_93 = arith.cmpf oeq, %add3A_90, %eq3A : vector<512x4096xf32>
      %jit3A = arith.constant 8192 : i32
      %broadcast_in_dim3A_94 = vector.broadcast %jit3A : i32 to vector<512x4096xi32>
      %select_n3A = arith.select %eq3A_93, %iota3A, %broadcast_in_dim3A_94 : vector<512x4096xi1>, vector<512x4096xi32>
      %reduce_min3A_95 = arith.constant dense<2147483647> : vector<512xi32>
      %reduce_min3A_96 = vector.multi_reduction <minsi>, %select_n3A, %reduce_min3A_95 [1] : vector<512x4096xi32> to vector<512xi32>
      %broadcast_in_dim3A_97 = vector.shape_cast %reduce_min3A_96 : vector<512xi32> to vector<512x1xi32>
      %mul3A_98 = arith.constant 4096 : i32
      %mul3A_99 = arith.muli %scan3A_68, %mul3A_98 : i32
      %add3A_100 = vector.broadcast %mul3A_99 : i32 to vector<512x1xi32>
      %add3A_101 = arith.addi %broadcast_in_dim3A_97, %add3A_100 : vector<512x1xi32>
      %max3A_102 = arith.constant 0.000000e+00 : f32
      %max3A_103 = vector.broadcast %max3A_102 : f32 to vector<512x1xf32>
      %max3A_104 = arith.maximumf %broadcast_in_dim3A_92, %max3A_103 : vector<512x1xf32>
      %sqrt3A = math.sqrt %max3A_104 : vector<512x1xf32>
      %lt3A = arith.cmpf olt, %sqrt3A, %scan3A_69 : vector<512x1xf32>
      %convert_element_type3A_105 = arith.truncf %sqrt3A : vector<512x1xf32> to vector<512x1xbf16>
      %convert_element_type3A_106 = arith.extf %convert_element_type3A_105 : vector<512x1xbf16> to vector<512x1xf32>
      %select_n3A_107 = arith.select %lt3A, %convert_element_type3A_106, %scan3A_69 : vector<512x1xi1>, vector<512x1xf32>
      %select_n3A_108 = arith.select %lt3A, %add3A_101, %scan3A_70 : vector<512x1xi1>, vector<512x1xi32>
      scf.yield %select_n3A_107, %select_n3A_108 : vector<512x1xf32>, vector<512x1xi32>
    }
    %scan3A_65 = arith.constant 2 : i32
    %swap3A = arith.constant 0 : index
    %swap3A_66 = arith.constant 0 : index
    %swap3A_67 = vector.load %arg12[%swap3A, %swap3A_66] : memref<512x1xi32, #tpu.memory_space<vmem>>, vector<512x1xi32>
    tpu.vector_store %arg12[%swap3A, %swap3A_66], %scan3A_64#1 {strides = array<i32>} : memref<512x1xi32, #tpu.memory_space<vmem>>, vector<512x1xi32>,
    return
  }
  func.func @transform_0(%arg0: i32) -> (i32, i32) {
    %c0_i32 = arith.constant 0 : i32
    %c0_i32_0 = arith.constant 0 : i32
    return %arg0, %c0_i32 : i32, i32
  }
  func.func @transform_1(%arg0: i32) -> (i32, i32) {
    %c0_i32 = arith.constant 0 : i32
    %c0_i32_0 = arith.constant 0 : i32
    return %arg0, %c0_i32 : i32, i32
  }
  func.func @transform_2(%arg0: i32) -> (i32, i32) {
    %c0_i32 = arith.constant 0 : i32
    %c0_i32_0 = arith.constant 0 : i32
    %c0_i32_1 = arith.constant 0 : i32
    return %c0_i32, %c0_i32_0 : i32, i32
  }
  func.func @transform_3(%arg0: i32) -> i32 {
    %c0_i32 = arith.constant 0 : i32
    %c0_i32_0 = arith.constant 0 : i32
    return %c0_i32 : i32
  }
  func.func @transform_4(%arg0: i32) -> (i32, i32) {
    %c0_i32 = arith.constant 0 : i32
    %c0_i32_0 = arith.constant 0 : i32
    %c0_i32_1 = arith.constant 0 : i32
    return %c0_i32, %c0_i32_0 : i32, i32
  }
  func.func @transform_5(%arg0: i32) -> i32 {
    %c0_i32 = arith.constant 0 : i32
    %c0_i32_0 = arith.constant 0 : i32
    return %c0_i32 : i32
  }
  func.func @transform_6(%arg0: i32) -> (i32, i32) {
    %c0_i32 = arith.constant 0 : i32
    %c0_i32_0 = arith.constant 0 : i32
    %c0_i32_1 = arith.constant 0 : i32
    return %c0_i32, %c0_i32_0 : i32, i32
  }
  func.func @transform_7(%arg0: i32) -> i32 {
    %c0_i32 = arith.constant 0 : i32
    %c0_i32_0 = arith.constant 0 : i32
    return %c0_i32 : i32
  }
  func.func @transform_8(%arg0: i32) -> (i32, i32) {
    %c0_i32 = arith.constant 0 : i32
    %c0_i32_0 = arith.constant 0 : i32
    %c0_i32_1 = arith.constant 0 : i32
    return %c0_i32, %c0_i32_0 : i32, i32
  }
  func.func @transform_9(%arg0: i32) -> i32 {
    %c0_i32 = arith.constant 0 : i32
    %c0_i32_0 = arith.constant 0 : i32
    return %c0_i32 : i32
  }
  func.func @transform_10(%arg0: i32) -> (i32, i32) {
    %c0_i32 = arith.constant 0 : i32
    %c0_i32_0 = arith.constant 0 : i32
    %c0_i32_1 = arith.constant 0 : i32
    return %c0_i32, %c0_i32_0 : i32, i32
  }
  func.func @transform_11(%arg0: i32) -> (i32, i32) {
    %c0_i32 = arith.constant 0 : i32
    %c0_i32_0 = arith.constant 0 : i32
    return %arg0, %c0_i32 : i32, i32
  }
}

</mosaic_0001>

<sc_bundles>
// kernel: kernel.4.cloned.1.call-start
scs
__scs_entry_jumppad:
0x0: {  	(pc) =	sbr.rel $0x88, $3  }
0x1: {  	(tag) =	ssettag $0x0;
	lr =	simm.s32 $0x1  }
0x2: {  	[smem:$0x3F96] =	sst lr;
	_ =	strace $0xD0000000  }
0x3: {  	_ = 	snop  }
0x4: {  	_ = 	snop  }
0x5: {  	_ = 	snop  }
0x6: {  	_ = 	snop  }
0x7: {  	_ = 	snop  }
__scs_overlays_trampoline_lowered:
0x8: {  	[smem:$0x3FA5] =	sst s0  }
0x9: {  	[smem:$0x3FA6] =	sst s1  }
0xa: {  	[smem:$0x3FA7] =	sst s2  }
0xb: {  	[smem:$0x3FA8] =	sst s3  }
0xc: {  	[smem:$0x3FA9] =	sst s4  }
0xd: {  	[smem:$0x3FAA] =	sst s5  }
0xe: {  	[smem:$0x3FAB] =	sst s6  }
0xf: {  	[smem:$0x3FAC] =	sst s7  }
0x10: {  	[smem:$0x3FAD] =	sst s8  }
0x11: {  	[smem:$0x3FAE] =	sst s9;
	s0 =	simm.s32 @!p0 $0x0  }
0x12: {  	s1 =	sld [smem:$0x3F94];
	s0 =	simm.s32 @p0 $0x1  }
0x13: {  	[smem:$0x3FAF] =	sst s0;
	s0 =	simm.s32 @!p1 $0x0  }
0x14: {  	s2 =	sld [smem:$0x3F93];
	s0 =	simm.s32 @p1 $0x1  }
0x15: {  	[smem:$0x3FB0] =	sst s0;
	s0 =	simm.s32 @!p2 $0x0  }
0x16: {  	s3 =	sld [smem:$0x3FDB];
	s0 =	simm.s32 @p2 $0x1  }
0x17: {  	s4 =	simm.s32 $0x1BF5;
	[smem:$0x3FB2] =	sst s0  }
0x18: {  	s0 =	sld [smem:$0x3F95];
	_ =	swait.ge [sflag:s4], $0x0  }
0x19: {  	s7 =	sld [smem:$0x3F96]  }
0x1a: {  	s8 =	sadd.s32 $0xFFFFE003, lr  }
0x1b: {  	s9 =	sadd.s32 $0xFFFFFEF7, lr;
	s5 =	simm.s32 $0xFFFFFFFF;
	p2 =	slt.u32 s8, $0xFFFFF086  }
0x1c: {  	p1 =	slt.u32 s9, $0xF7A;
	s5 =	simm.s32 @!p2 $0x0  }
0x1d: {  	s5 =	simm.s32 @p1 $0x1;
	p0 =	seq.s32 s7, s2  }
0x1e: {  	s7 =	smul.u32 @!p0 $0xF7A, s2;
	p2 =	seq.s32 @!p0 s5, $0x0  }
0x1f: {  	s9 =	smul.u32 $0xF7A, s1;
	s8 =	simm.s32 @!p0 $0x1BF5;
	p2 =	por !p2, p0  }
0x20: {  	[sflag:s8] =	ssyncset.s32 @!p0 $0xFFFFF086;
	s6 =	sadd.s32 @!p0 s3, s7;
	s7 =	simm.s32 @!p0 $0x108  }
0x21: {  	s3 =	sadd.s32 s3, s9;
	s6 =	sadd.s32 @!p0 $0x88, s6;
	s7 =	simm.s32 @p2 $0x1082  }
0x22: {  	[simem:s7], [sflag:s8] =	dma.local @!p0 [hbm:s6], $0xF7A  }
0x23: {  	s9 =	sor.u32 $0xD0000000, s2;
	s6 =	simm.s32 $0x108;
	_ =	swait.ge @!p0 [sflag:s8], $0x0  }
0x24: {  	s3 =	sadd.s32 $0x88, s3;
	s6 =	simm.s32 @!p1 $0x1082;
	[sflag:s4] =	ssyncset.s32 $0xFFFFF086  }
0x25: {  	[simem:s6], [sflag:s4] =	dma.local [hbm:s3], $0xF7A  }
0x26: {  	[smem:$0x3F96] =	sst s1;
	(tag) =	ssettag s2;
	_ =	strace s9  }
0x27: {  	s1 =	sld [smem:$0x3FA6]  }
0x28: {  	s2 =	sld [smem:$0x3FA7]  }
0x29: {  	s4 =	sld [smem:$0x3FA9]  }
0x2a: {  	p0 =	seq.s32 s5, $0x0;
	s5 =	sld [smem:$0x3FAA]  }
0x2b: {  	s6 =	sld [smem:$0x3FAB]  }
0x2c: {  	s7 =	sld [smem:$0x3FAC]  }
0x2d: {  	s3 =	simm.s32 $0x108;
	s8 =	sld [smem:$0x3FAD]  }
0x2e: {  	s3 =	simm.s32 @!p0 $0x1082;
	s9 =	sld [smem:$0x3FAE]  }
0x2f: {  	lr =	sadd.s32 s0, s3;
	s0 =	sld [smem:$0x3FA5]  }
0x30: {  	s3 =	sld [smem:$0x3FA8]  }
0x31: {  	[smem:$0x3FB1] =	sst s10  }
0x32: {  	s10 =	sld [smem:$0x3FAF];
	_ =	sdelay $0x3  }
0x33: {  	p0 =	seq.s32 s10, $0x1;
	s10 =	sld [smem:$0x3FB1];
	_ =	sdelay $0x3  }
0x34: {  	[smem:$0x3FB1] =	sst s10  }
0x35: {  	s10 =	sld [smem:$0x3FB0];
	_ =	sdelay $0x3  }
0x36: {  	p1 =	seq.s32 s10, $0x1;
	s10 =	sld [smem:$0x3FB1];
	_ =	sdelay $0x3  }
0x37: {  	[smem:$0x3FB1] =	sst s10  }
0x38: {  	s10 =	sld [smem:$0x3FB2]  }
0x39: {  	_ = 	snop;
	(pc) =	sbr.ind lr, $3  }
0x3a: {  	_ = 	snop  }
0x3b: {  	_ = 	snop  }
0x3c: {  	p2 =	seq.s32 s10, $0x1;
	s10 =	sld [smem:$0x3FB1]  }
0x3d: {  	_ =	shalt  }
0x3e: {  	_ =	shalt  }
0x3f: {  	_ =	shalt  }
0x40: {  	_ =	shalt  }
0x41: {  	_ =	shalt  }
0x42: {  	_ =	shalt  }
0x43: {  	_ =	shalt  }
0x44: {  	_ =	shalt  }
0x45: {  	_ =	shalt  }
0x46: {  	_ =	shalt  }
0x47: {  	_ =	shalt  }
0x48: {  	_ =	shalt  }
0x49: {  	_ =	shalt  }
0x4a: {  	_ =	shalt  }
0x4b: {  	_ =	shalt  }
0x4c: {  	_ =	shalt  }
0x4d: {  	_ =	shalt  }
0x4e: {  	_ =	shalt  }
0x4f: {  	_ =	shalt  }
0x50: {  	_ =	shalt  }
0x51: {  	_ =	shalt  }
0x52: {  	_ =	shalt  }
0x53: {  	_ =	shalt  }
0x54: {  	_ =	shalt  }
0x55: {  	_ =	shalt  }
0x56: {  	_ =	shalt  }
0x57: {  	_ =	shalt  }
0x58: {  	_ =	shalt  }
0x59: {  	_ =	shalt  }
0x5a: {  	_ =	shalt  }
0x5b: {  	_ =	shalt  }
0x5c: {  	_ =	shalt  }
0x5d: {  	_ =	shalt  }
0x5e: {  	_ =	shalt  }
0x5f: {  	_ =	shalt  }
0x60: {  	_ =	shalt  }
0x61: {  	_ =	shalt  }
0x62: {  	_ =	shalt  }
0x63: {  	_ =	shalt  }
0x64: {  	_ =	shalt  }
0x65: {  	_ =	shalt  }
0x66: {  	_ =	shalt  }
0x67: {  	_ =	shalt  }
0x68: {  	_ =	shalt  }
0x69: {  	_ =	shalt  }
0x6a: {  	_ =	shalt  }
0x6b: {  	_ =	shalt  }
0x6c: {  	_ =	shalt  }
0x6d: {  	_ =	shalt  }
0x6e: {  	_ =	shalt  }
0x6f: {  	_ =	shalt  }
0x70: {  	_ =	shalt  }
0x71: {  	_ =	shalt  }
0x72: {  	_ =	shalt  }
0x73: {  	_ =	shalt  }
0x74: {  	_ =	shalt  }
0x75: {  	_ =	shalt  }
0x76: {  	_ =	shalt  }
0x77: {  	_ =	shalt  }
0x78: {  	_ =	shalt  }
0x79: {  	_ =	shalt  }
0x7a: {  	_ =	shalt  }
0x7b: {  	_ =	shalt  }
0x7c: {  	_ =	shalt  }
0x7d: {  	_ =	shalt  }
0x7e: {  	_ =	shalt  }
0x7f: {  	_ =	shalt  }
0x80: {  	_ =	shalt  }
0x81: {  	_ =	shalt  }
0x82: {  	_ =	shalt  }
0x83: {  	_ =	shalt  }
0x84: {  	_ =	shalt  }
0x85: {  	_ =	shalt  }
0x86: {  	_ =	shalt  }
0x87: {  	_ =	shalt  }
.Lfunc_end0:
.L_simem_size_0:
called_computation_lowered:
.L_overlay_start_0:
0x88: {  	s2 =	sld [smem:$0x3FD9]  }
0x89: {  	s3 =	sld [smem:$0x3FFE];
	_ =	sdelay $0x1  }
0x8a: {  	s1 =	srdreg.scid  }
0x8b: {  	s0 =	sand.u32 $0x1, s1  }
0x8c: {  	s14 =	sshll.u32 s0, $0xA;
	s2 =	sadd.s32 s3, s2  }
0x8d: {  	s2 =	sadd.s32 s2, s14  }
0x8e: {  	[smem:$0x3FBD] =	sst s2  }
0x8f: {  	_ = 	snop  }
0x90: {  	s2 =	sld [smem:$0x3FD0];
	_ =	sdelay $0x2  }
0x91: {  	s15 =	simm.s32 $0xA;
	s4 =	simm.s32 $0x10  }
0x92: {  	[smem:s4], [sflag:s15] =	dma.local [hbm:s2], $0x1  }
0x93: {  	_ =	swait.eq [sflag:s15], $0x1  }
0x94: {  	[sflag:s15] =	ssyncset.done $0x0  }
0x95: {  	s16 =	sld [smem:$0x10];
	[sflag:s15] =	ssyncadd.s32 $0xFFFFFFFF  }
0x96: {  	s17 =	sld [smem:$0x11];
	(tm) =	ssettm $0x1  }
0x97: {  	s18 =	sld [smem:$0x3FFB];
	_ =	sdelay $0x3  }
0x98: {  	_ =	strace s18  }
0x99: {  	s4 =	sld [smem:$0x3FFC];
	_ =	sdelay $0x3  }
0x9a: {  	_ =	strace s4  }
0x9b: {  	s4 =	sld [smem:$0x3FFD];
	_ =	sdelay $0x3  }
0x9c: {  	_ =	strace s4  }
0x9d: {  	_ =	strace $0x8FFFFFFF  }
0x9e: {  	s19 =	sld [smem:$0x3FDB];
	_ =	sdelay $0x1  }
0x9f: {  	s5 =	simm.s32 $_scs_section_size  }
0xa0: {  	s6 =	simm.s32 $_size__tile_overlayer_lowered;
	s7 =	simm.s32 $_tile_overlayer_lowered  }
0xa1: {  	s22 =	simm.s32 $0x1BFF;
	s21 =	sshll.u32 s7, $0x1;
	s4 =	sadd.s32 s5, s19  }
0xa2: {  	s8 =	simm.s32 $0x0;
	s20 =	sshll.u32 s6, $0x1;
	s6 =	sadd.s32 s21, s4  }
0xa3: {  	[timem:s8], [sflag:s22] =	dma.local [hbm:s6], s20  }
0xa4: {  	_ =	swait.ge [sflag:s22], s20  }
0xa5: {  	s5 =	ssub.s32 $0x0, s20;
	[sflag:s22] =	ssyncset.done $0x0  }
0xa6: {  	[sflag:s22] =	ssyncadd.s32 s5;
	_ =	sdelay $0x1  }
0xa7: {  	s23 =	simm.s32 $0x1B8B  }
0xa8: {  	_ =	swait.ge [sflag:s23], $0x1  }
0xa9: {  	[sflag:s23] =	ssyncset.done $0x0  }
0xaa: {  	s25 =	simm.s32 $0x1B8E;
	s24 =	sld [smem:$0x3FFE];
	[sflag:s23] =	ssyncadd.s32 $0xFFFFFFFF  }
0xab: {  	s26 =	simm.s32 $execute0_lowered;
	[smem:$0x3FD2] =	sst s25  }
0xac: {  	s6 =	sshll.u32 s26, $0x1;
	_ =	strace $0x80000046;
	[dreg:$0x1] =	wrdreg $0xFFFFFFFF  }
0xad: {  	s28 =	simm.s32 $_size_execute0_lowered;
	s4 =	sadd.s32 s4, s6;
	[dreg:$0x0] =	wrdreg $0x0  }
0xae: {  	s6 =	sshll.u32 s28, $0x1;
	[dreg:$0x2] =	wrdreg s4  }
0xaf: {  	[dreg:$0x3] =	wrdreg s6  }
0xb0: {  	[dreg:$0x4] =	wrdreg $0xC0  }
0xb1: {  	_ =	task [dreg:s8], $0x5FFFF  }
0xb2: {  	[dreg:$0x1] =	wrdreg $0xFFFFFFFF  }
0xb3: {  	[dreg:$0x0] =	wrdreg $0x60  }
0xb4: {  	[dreg:$0x2] =	wrdreg s24  }
0xb5: {  	[dreg:$0x3] =	wrdreg s16  }
0xb6: {  	[dreg:$0x4] =	wrdreg s17  }
0xb7: {  	[dreg:$0x5] =	wrdreg $0x9  }
0xb8: {  	_ =	task.clear_ibuf [dreg:s8], $0x6FFFF;
	_ =	strace $0x90000046  }
0xb9: {  	s29 =	simm.s32 $0x9;
	_ =	strace $0x80000048  }
0xba: {  	_ =	swait.ge [sflag:s29], $0x1  }
0xbb: {  	[sflag:s29] =	ssyncadd.s32 $0xFFFFFFFF  }
0xbc: {  	_ =	strace $0x90000048  }
0xbd: {  	_ =	sfence  }
0xbe: {  	s30 =	sld [smem:$0x0];
	_ =	sdelay $0x2  }
0xbf: {  	s31 =	sshll.u32 s1, $0xD;
	s1 =	sshrl.u32 s1, $0x2  }
0xc0: {  	s3 =	sand.u32 $0x4000, s31;
	s1 =	sadd.s32 s1, s30  }
0xc1: {  	s0 =	sor.u32 s3, s0;
	s1 =	sshll.u32 s1, $0x11  }
0xc2: {  	s0 =	sor.u32 s1, s0  }
0xc3: {  	s0 =	sadd.s32 $0x8F2B, s0  }
0xc4: {  	[sflag:s0] =	ssyncadd.remote.s32 $0x1  }
0xc5: {  	_ =	sfence.sel $0xFFFF  }
0xc6: {  	[dreg:$0x0] =	wrdreg $0xFFFFFFFF;
	(pc) =	sbr.abs _section_cstart, $3  }
0xc7: {  	[dreg:$0x1] =	wrdreg $0xFFFFFFFF  }
0xc8: {  	_ =	task.clear_ibuf [dreg:s8], $0x2FFFF;
	_ =	strace $0x9FFFFFFF  }
0xc9: {  	(tm) =	ssettm $0x7FFFFFFF  }
tec
execute0_lowered:
.L_overlay_start_1:
0x0: {  	(tag) =	ssettag $0x1  }
0x1: {  	s5 =	rddreg [dreg:$0x0]  }
0x2: {  	s1 =	srdreg.scid;
	s3 =	rddreg [dreg:$0x1]  }
0x3: {  	s0 =	stileid.u32;
	s8 =	rddreg [dreg:$0x2];
	s6 =	sand.u32 $0x1, s1  }
0x4: {  	s2 =	simm.s32 $0x0;
	s4 =	sshll.u32 s0, $0xA;
	s7 =	sshll.u32 s6, $0x9  }
0x5: {  	[smem:$0x7FF] =	sst s2;
	s9 =	sor.u32 s7, s4  }
0x6: {  	s1 =	rddreg [dreg:$0x3];
	_ =	strace $0x80000047;
	s4 =	sshrl.u32 s9, $0x3  }
0x7: {  	s10 =	ssub.s32 $0x2, s6;
	s4 =	sadd.s32 s3, s4;
	s3 =	simm.s32 $0x2  }
0x8: {  	[tilespmem:s2], [sflag:$0x2] =	stream.linear.gather [hbm4b:s4+s2], $0x200, $0x38;
	[tilespmem:$0x8200] =	vst v63  }
0x9: {  	s5 =	sadd.s32 $0x41400, s5;
	s11 =	sshrl.u32 s10, $0x1;
	_ =	swait.ge [sflag:s3], $0x200  }
0xa: {  	s6 =	simm.s32 $0x200;
	s10 =	ssub.s32 s10, s11;
	[sflag:s3] =	ssyncset.done $0x0  }
0xb: {  	s7 =	simm.s32 $0x1;
	s31 =	smax.u32 s10, $0x1;
	[sflag:s3] =	ssyncadd.s32 $0xFFFFFE00  }
0xc: {  	[tilespmem:s6], [sflag:$0x1] =	stream.indirect.gather [hbm4b:s5+s6], $0x40, s2, s6, $0xb8;
	[tilespmem:$0x8200] =	vst v63  }
0xd: {  	p0 =	sne.s32 s31, $0x1;
	_ =	swait.ge [sflag:s7], $0x8000  }
.Ltmp0:
0xe: {  	s9 =	sshll.u32 s9, $0x3;
	[sflag:s7] =	ssyncset.done $0x0;
	(pc) =	sbr.rel @!p0 .LBB2_2-.Ltmp0, $4  }
0xf: {  	s8 =	sadd.s32 s8, s9;
	[sflag:s7] =	ssyncadd.s32 $0xFFFF8000  }
0x10: {  	[hbm4b:s8+s2] =	stream.linear.scatter [tilespmem:s6], [sflag:$0x2], $0x8000, $0x38;
	[tilespmem:$0x8200] =	vst v63  }
0x11: {  	_ =	swait.ge [sflag:s3], $0x8000  }
0x12: {  	s9 =	sadd.s32 $0xFFFFFFFF, s31;
	[sflag:s3] =	ssyncset.done $0x0  }
.LBB2_1:
0x13: {  	p0 =	sne.s32 s9, $0x1;
	s9 =	sadd.s32 $0xFFFFFFFF, s9;
	[sflag:s3] =	ssyncadd.s32 $0xFFFF8000  }
0x14: {  	[tilespmem:s2], [sflag:$0x2] =	stream.linear.gather [hbm4b:s4+s2], $0x200, $0x38;
	[tilespmem:$0x8200] =	vst v63  }
0x15: {  	_ =	swait.ge [sflag:s3], $0x200  }
0x16: {  	[sflag:s3] =	ssyncset.done $0x0  }
0x17: {  	[sflag:s3] =	ssyncadd.s32 $0xFFFFFE00  }
0x18: {  	[tilespmem:s6], [sflag:$0x1] =	stream.indirect.gather [hbm4b:s5+s6], $0x40, s2, s6, $0xb8;
	[tilespmem:$0x8200] =	vst v63  }
0x19: {  	_ =	swait.ge [sflag:s7], $0x8000  }
.Ltmp1:
0x1a: {  	[sflag:s7] =	ssyncset.done $0x0;
	(pc) =	sbr.rel @p0 .LBB2_1-.Ltmp1, $4  }
0x1b: {  	[sflag:s7] =	ssyncadd.s32 $0xFFFF8000  }
0x1c: {  	[hbm4b:s8+s2] =	stream.linear.scatter [tilespmem:s6], [sflag:$0x2], $0x8000, $0x38;
	[tilespmem:$0x8200] =	vst v63  }
0x1d: {  	_ =	swait.ge [sflag:s3], $0x8000  }
0x1e: {  	[sflag:s3] =	ssyncset.done $0x0  }
.LBB2_2:
0x1f: {  	[sflag:s3] =	ssyncadd.s32 $0xFFFF8000  }
0x20: {  	_ =	sfence.sel $0x180000  }
0x21: {  	[bflag:$0x0] =	sbarrier.arrive $0xFFFF  }
0x22: {  	p0 =	sne.s32 s0, $0x0;
	_ =	strace $0x90000047  }
0x23: {  	s0 =	sadd.s32 @!p0 $0x100000, s1;
	[bflag:$0x2] =	sbarrier.arrive $0xFFFF  }
0x24: {  	[sflag:s0] =	ssyncadd.tile.s32 @!p0 $0x1;
	_ =	shalt  }
.Lfunc_end2:
_tile_overlayer_lowered:
.L_overlay_start_2:
0x25: {  	(tag) =	ssettag $0x2  }
0x26: {  	s0 =	rddreg [dreg:$0x0];
	s2 =	stileid.u32  }
0x27: {  	s1 =	rddreg [dreg:$0x1];
	p0 =	sne.s32 s2, $0x0  }
0x28: {  	s3 =	rddreg [dreg:$0x2];
	[bflag:$0x3] =	sbarrier.arrive $0xFFFF;
	s2 =	simm.s32 @!p0 $0x1C02  }
0x29: {  	[timem:s3], [sflag:s2] =	dma.local @!p0 [hbm:s0], s1  }
0x2a: {  	s0 =	simm.s32 @!p0 $0x2  }
0x2b: {  	_ =	swait.ge @!p0 [sflag:s0], s1  }
0x2c: {  	s1 =	ssub.s32 @!p0 $0x0, s1;
	[sflag:s0] =	ssyncset.done @!p0 $0x0  }
0x2d: {  	[sflag:s0] =	ssyncadd.s32 @!p0 s1  }
0x2e: {  	[bflag:$0x3] =	sbarrier.arrive $0xFFFF  }
0x2f: {  	_ =	shalt  }

</sc_bundles>
